<compile_context>
chip_gen: v7x
topology: tpu7x:2x2x1
jax: 0.10.2.dev20260603
libtpu: 0.0.44.dev20260713+nightly
codegen_flags: <defaults>
</compile_context>

<pallas_src>
import functools

import jax
import jax.numpy as jnp
from jax import lax
from jax.experimental import pallas as pl
from jax.experimental.pallas import tpu as pltpu
from jax.experimental.pallas import tpu_sc as plsc

NC = 2
NS = 16
NW = NC * NS
L = 16


def _emb_body(n_batch, seq_len, d_model,
              ids_hbm, seg_hbm, tok_hbm, segtab_hbm, pos_hbm, out_hbm,
              pos_buf, tok_buf, seg_rows, diff_v, idx_v, segi_v, segf_v, sem):
    p_per_w = seq_len // NW
    nj = d_model // L
    wid = lax.axis_index("s") * NC + lax.axis_index("c")
    p0 = wid * p_per_w

    pltpu.sync_copy(pos_hbm.at[pl.ds(p0, p_per_w)], pos_buf)
    pltpu.sync_copy(segtab_hbm, seg_rows)

    def pre_j(j, carry):
        sl = pl.ds(j * L, L)
        s0 = seg_rows[0, sl]
        diff_v[sl] = seg_rows[1, sl] - s0

        def pre_i(i, c):
            plsc.addupdate(pos_buf.at[i, sl], s0)
            return c

        return lax.fori_loop(0, p_per_w, pre_i, carry, unroll=4)

    lax.fori_loop(0, nj, pre_j, 0)

    def batch_body(b, carry):
        base = b * seq_len + p0
        pltpu.sync_copy(ids_hbm.at[pl.ds(base, p_per_w)], idx_v)
        pltpu.sync_copy(seg_hbm.at[pl.ds(base, p_per_w)], segi_v)

        def conv(jj, c):
            sl = pl.ds(jj * L, L)
            segf_v[sl] = segi_v[sl].astype(jnp.float32)
            return c

        lax.fori_loop(0, p_per_w // L, conv, 0)

        pltpu.async_copy(tok_hbm.at[idx_v], tok_buf, sem).wait()

        def row_i(i, c):
            s = plsc.load_gather(segf_v, [jnp.broadcast_to(i, (L,))])

            def col_j(j, cc):
                sl = pl.ds(j * L, L)
                plsc.addupdate(tok_buf.at[i, sl],
                               pos_buf[i, sl] + s * diff_v[sl])
                return cc

            return lax.fori_loop(0, nj, col_j, c, unroll=4)

        lax.fori_loop(0, p_per_w, row_i, 0)
        pltpu.sync_copy(tok_buf, out_hbm.at[pl.ds(base, p_per_w)])
        return carry

    lax.fori_loop(0, n_batch, batch_body, 0)


@functools.cache
def _build(n_batch, seq_len, d_model, vocab, n_seg, maxlen):
    assert seq_len % NW == 0 and d_model % L == 0
    p_per_w = seq_len // NW
    assert p_per_w % L == 0
    mesh = plsc.VectorSubcoreMesh(core_axis_name="c", subcore_axis_name="s",
                                  num_cores=NC, num_subcores=NS)
    body = functools.partial(_emb_body, n_batch, seq_len, d_model)
    return pl.kernel(
        body,
        out_type=jax.ShapeDtypeStruct((n_batch * seq_len, d_model),
                                      jnp.float32),
        mesh=mesh,
        scratch_types=[
            pltpu.VMEM((p_per_w, d_model), jnp.float32),
            pltpu.VMEM((p_per_w, d_model), jnp.float32),
            pltpu.VMEM((2, d_model), jnp.float32),
            pltpu.VMEM((d_model,), jnp.float32),
            pltpu.VMEM((p_per_w,), jnp.int32),
            pltpu.VMEM((p_per_w,), jnp.int32),
            pltpu.VMEM((p_per_w,), jnp.float32),
            pltpu.SemaphoreType.DMA,
        ],
        compiler_params=pltpu.CompilerParams(needs_layout_passes=False),
        name="sc_embedding_lookup",
    )


def kernel(input_ids, seg_ids, tok_table, seg_table, pos_table):
    n_batch, seq_len = input_ids.shape
    vocab, d_model = tok_table.shape
    fn = _build(n_batch, seq_len, d_model, vocab,
                seg_table.shape[0], pos_table.shape[0])
    out = fn(input_ids.reshape(-1), seg_ids.reshape(-1),
             tok_table, seg_table, pos_table)
    return out.reshape(n_batch, seq_len, d_model)

# --- scband reference (transcript-rebuilt; emitter-appended) ---
"""Pipeline reference for scband-embedding-8572754723388 (READ-ONLY COPY).

The authoritative reference and input builder live on the scoring server;
editing this copy changes nothing except your own understanding.
"""

import jax, jax.numpy as jnp
import numpy as np

VOCAB_SIZE = 100000
D_MODEL = 768
N_SEGMENTS = 2
MAXLEN = 2048
BATCH = 4
SEQ_LEN = 2048

def setup_inputs(seed: int = 0) -> dict:
    key = jax.random.key(seed)
    k1, k2, k3, k4, k5 = jax.random.split(key, 5)
    input_ids = jax.random.randint(k1, (BATCH, SEQ_LEN), 0, VOCAB_SIZE, dtype=jnp.int64 if jax.config.jax_enable_x64 else jnp.int32).astype(jnp.int32)
    seg_ids = jax.random.randint(k2, (BATCH, SEQ_LEN), 0, N_SEGMENTS).astype(jnp.int32)
    tok_table = jax.random.normal(k3, (VOCAB_SIZE, D_MODEL), dtype=jnp.float32)
    seg_table = jax.random.normal(k4, (N_SEGMENTS, D_MODEL), dtype=jnp.float32)
    pos_table = jax.random.normal(k5, (MAXLEN, D_MODEL), dtype=jnp.float32)
    return {
        "input_ids": input_ids,
        "seg_ids": seg_ids,
        "tok_table": tok_table,
        "seg_table": seg_table,
        "pos_table": pos_table,
    }

def reference(input_ids, seg_ids, tok_table, seg_table, pos_table):
    seq_len = input_ids.shape[1]
    pos = jnp.arange(seq_len, dtype=input_ids.dtype)
    pos = jnp.broadcast_to(pos[None, :], input_ids.shape)
    tok_emb = jnp.take(tok_table, input_ids, axis=0)
    pos_emb = jnp.take(pos_table, pos, axis=0)
    seg_emb = jnp.take(seg_table, seg_ids, axis=0)
    embedding = tok_emb + pos_emb + seg_emb
    return embedding

if __name__ == "__main__":
    import jax
    _d = setup_inputs()
    print(jax.jit(kernel)(*tuple(_d.values())))

</pallas_src>

<mosaic_0001>
#map = affine_map<(d0, d1) -> (0)>
#map1 = affine_map<(d0, d1) -> (0, 0)>
module attributes {stable_mosaic.version = 14 : i64} {
  func.func @sc_embedding_lookup(%arg0: i32, %arg1: i32, %arg2: memref<8192xi32, #tpu.memory_space<hbm>>, %arg3: memref<8192xi32, #tpu.memory_space<hbm>>, %arg4: memref<100000x768xf32, #tpu.memory_space<hbm>>, %arg5: memref<2x768xf32, #tpu.memory_space<hbm>>, %arg6: memref<2048x768xf32, #tpu.memory_space<hbm>>, %arg7: memref<8192x768xf32, #tpu.memory_space<hbm>>, %arg8: memref<64x768xf32, #tpu.memory_space<vmem>>, %arg9: memref<64x768xf32, #tpu.memory_space<vmem>>, %arg10: memref<2x768xf32, #tpu.memory_space<vmem>>, %arg11: memref<768xf32, #tpu.memory_space<vmem>>, %arg12: memref<64xi32, #tpu.memory_space<vmem>>, %arg13: memref<64xi32, #tpu.memory_space<vmem>>, %arg14: memref<64xf32, #tpu.memory_space<vmem>>, %arg15: memref<!tpu.dma_semaphore, #tpu.memory_space<semaphore_mem>>) attributes {dimension_semantics = [#tpu.dimension_semantics<core_parallel>, #tpu.dimension_semantics<subcore_parallel>], iteration_bounds = array<i64: 2, 16>, scalar_prefetch = 0 : i64, scratch_operands = 8 : i64, tpu.core_type = #tpu.core_type<sc_vector_subcore>, window_params = [{transform_indices = #map}, {transform_indices = #map}, {transform_indices = #map1}, {transform_indices = #map1}, {transform_indices = #map1}, {transform_indices = #map1}]} {
    %mul3A = arith.constant 2 : i32
    %mul3A_0 = arith.muli %arg1, %mul3A : i32
    %add3A = arith.addi %mul3A_0, %arg0 : i32
    %mul3A_1 = arith.constant 64 : i32
    %mul3A_2 = arith.muli %add3A, %mul3A_1 : i32
    "tpu.region"() ({
      %run_scoped3A = tpu.sem_alloc : memref<!tpu.dma_semaphore, #tpu.memory_space<semaphore_mem>>
      %dma_start3A = arith.constant 0 : i32
      %dma_start3A_14 = tpu.memref_slice %arg6[%mul3A_2, %dma_start3A] : memref<2048x768xf32, #tpu.memory_space<hbm>> -> memref<64x768xf32, #tpu.memory_space<hbm>>
      %dma_start3A_15 = arith.constant 0 : i32
      %dma_start3A_16 = tpu.memref_slice %arg6[%mul3A_2, %dma_start3A_15] : memref<2048x768xf32, #tpu.memory_space<hbm>> -> memref<64x768xf32, #tpu.memory_space<hbm>>
      tpu.enqueue_dma source(%dma_start3A_16 : memref<64x768xf32, #tpu.memory_space<hbm>>) target(%arg8 : memref<64x768xf32, #tpu.memory_space<vmem>>) target_semaphore(%run_scoped3A : memref<!tpu.dma_semaphore, #tpu.memory_space<semaphore_mem>>)
      %dma_wait3A = arith.constant 0 : i32
      %dma_wait3A_17 = tpu.memref_slice %arg6[%mul3A_2, %dma_wait3A] : memref<2048x768xf32, #tpu.memory_space<hbm>> -> memref<64x768xf32, #tpu.memory_space<hbm>>
      %dma_wait3A_18 = arith.constant 0 : i32
      %dma_wait3A_19 = tpu.memref_slice %arg6[%mul3A_2, %dma_wait3A_18] : memref<2048x768xf32, #tpu.memory_space<hbm>> -> memref<64x768xf32, #tpu.memory_space<hbm>>
      tpu.wait_dma2 semaphore(%run_scoped3A : memref<!tpu.dma_semaphore, #tpu.memory_space<semaphore_mem>>) src(%dma_wait3A_19 : memref<64x768xf32, #tpu.memory_space<hbm>>) dst(%arg8 : memref<64x768xf32, #tpu.memory_space<vmem>>)
      tpu.yield
    }) : () -> ()
    "tpu.region"() ({
      %run_scoped3A = tpu.sem_alloc : memref<!tpu.dma_semaphore, #tpu.memory_space<semaphore_mem>>
      tpu.enqueue_dma source(%arg5 : memref<2x768xf32, #tpu.memory_space<hbm>>) target(%arg10 : memref<2x768xf32, #tpu.memory_space<vmem>>) target_semaphore(%run_scoped3A : memref<!tpu.dma_semaphore, #tpu.memory_space<semaphore_mem>>)
      tpu.wait_dma2 semaphore(%run_scoped3A : memref<!tpu.dma_semaphore, #tpu.memory_space<semaphore_mem>>) src(%arg5 : memref<2x768xf32, #tpu.memory_space<hbm>>) dst(%arg10 : memref<2x768xf32, #tpu.memory_space<vmem>>)
      tpu.yield
    }) : () -> ()
    %scan3A = arith.constant 0 : i32
    %scan3A_3 = arith.constant 0 : i32
    %scan3A_4 = arith.constant 48 : i32
    %scan3A_5 = arith.addi %scan3A_3, %scan3A_4 : i32
    %scan3A_6 = arith.constant 1 : i32
    scf.for %scan3A_14 = %scan3A_3 to %scan3A_5 step %scan3A_6  : i32 {
      %mul3A_15 = arith.constant 16 : i32
      %mul3A_16 = arith.muli %scan3A_14, %mul3A_15 : i32
      %get3A = arith.constant 0 : i32
      %get3A_17 = arith.index_cast %get3A : i32 to index
      %get3A_18 = arith.index_cast %mul3A_16 : i32 to index
      %get3A_19 = tpu.vector_load %arg10[%get3A_17, %get3A_18] {strides = array<i32>} : memref<2x768xf32, #tpu.memory_space<vmem>>, vector<16xf32>,
      %get3A_20 = arith.constant 1 : i32
      %get3A_21 = arith.index_cast %get3A_20 : i32 to index
      %get3A_22 = arith.index_cast %mul3A_16 : i32 to index
      %get3A_23 = tpu.vector_load %arg10[%get3A_21, %get3A_22] {strides = array<i32>} : memref<2x768xf32, #tpu.memory_space<vmem>>, vector<16xf32>,
      %sub3A = arith.subf %get3A_23, %get3A_19 : vector<16xf32>
      %swap3A = arith.index_cast %mul3A_16 : i32 to index
      %swap3A_24 = tpu.vector_load %arg11[%swap3A] {strides = array<i32>} : memref<768xf32, #tpu.memory_space<vmem>>, vector<16xf32>,
      tpu.vector_store %arg11[%swap3A], %sub3A {strides = array<i32>} : memref<768xf32, #tpu.memory_space<vmem>>, vector<16xf32>,
      %scan3A_25 = arith.constant 0 : i32
      %scan3A_26 = arith.constant 64 : i32
      %scan3A_27 = arith.addi %scan3A_25, %scan3A_26 : i32
      %scan3A_28 = arith.constant 4 : i32
      scf.for %scan3A_30 = %scan3A_25 to %scan3A_27 step %scan3A_28  : i32 {
        %swap3A_31 = arith.index_cast %scan3A_30 : i32 to index
        %swap3A_32 = arith.index_cast %mul3A_16 : i32 to index
        %swap3A_33 = tpu.vector_load %arg8[%swap3A_31, %swap3A_32] {strides = array<i32>} : memref<64x768xf32, #tpu.memory_space<vmem>>, vector<16xf32>,
        tpu.vector_store %arg8[%swap3A_31, %swap3A_32], %get3A_19 {add = true, strides = array<i32>} : memref<64x768xf32, #tpu.memory_space<vmem>>, vector<16xf32>,
        %scan3A_34 = arith.constant 1 : i32
        %scan3A_35 = arith.addi %scan3A_30, %scan3A_34 : i32
        %swap3A_36 = arith.index_cast %scan3A_35 : i32 to index
        %swap3A_37 = arith.index_cast %mul3A_16 : i32 to index
        %swap3A_38 = tpu.vector_load %arg8[%swap3A_36, %swap3A_37] {strides = array<i32>} : memref<64x768xf32, #tpu.memory_space<vmem>>, vector<16xf32>,
        tpu.vector_store %arg8[%swap3A_36, %swap3A_37], %get3A_19 {add = true, strides = array<i32>} : memref<64x768xf32, #tpu.memory_space<vmem>>, vector<16xf32>,
        %scan3A_39 = arith.constant 2 : i32
        %scan3A_40 = arith.addi %scan3A_30, %scan3A_39 : i32
        %swap3A_41 = arith.index_cast %scan3A_40 : i32 to index
        %swap3A_42 = arith.index_cast %mul3A_16 : i32 to index
        %swap3A_43 = tpu.vector_load %arg8[%swap3A_41, %swap3A_42] {strides = array<i32>} : memref<64x768xf32, #tpu.memory_space<vmem>>, vector<16xf32>,
        tpu.vector_store %arg8[%swap3A_41, %swap3A_42], %get3A_19 {add = true, strides = array<i32>} : memref<64x768xf32, #tpu.memory_space<vmem>>, vector<16xf32>,
        %scan3A_44 = arith.constant 3 : i32
        %scan3A_45 = arith.addi %scan3A_30, %scan3A_44 : i32
        %swap3A_46 = arith.index_cast %scan3A_45 : i32 to index
        %swap3A_47 = arith.index_cast %mul3A_16 : i32 to index
        %swap3A_48 = tpu.vector_load %arg8[%swap3A_46, %swap3A_47] {strides = array<i32>} : memref<64x768xf32, #tpu.memory_space<vmem>>, vector<16xf32>,
        tpu.vector_store %arg8[%swap3A_46, %swap3A_47], %get3A_19 {add = true, strides = array<i32>} : memref<64x768xf32, #tpu.memory_space<vmem>>, vector<16xf32>,
      }
      %scan3A_29 = arith.constant 64 : i32
    }
    %scan3A_7 = arith.constant 48 : i32
    %scan3A_8 = arith.constant 0 : i32
    %scan3A_9 = arith.constant 0 : i32
    %scan3A_10 = arith.constant 4 : i32
    %scan3A_11 = arith.addi %scan3A_9, %scan3A_10 : i32
    %scan3A_12 = arith.constant 1 : i32
    scf.for %scan3A_14 = %scan3A_9 to %scan3A_11 step %scan3A_12  : i32 {
      %mul3A_15 = arith.constant 2048 : i32
      %mul3A_16 = arith.muli %scan3A_14, %mul3A_15 : i32
      %add3A_17 = arith.addi %mul3A_16, %mul3A_2 : i32
      "tpu.region"() ({
        %run_scoped3A = tpu.sem_alloc : memref<!tpu.dma_semaphore, #tpu.memory_space<semaphore_mem>>
        %dma_start3A_34 = tpu.memref_slice %arg2[%add3A_17] : memref<8192xi32, #tpu.memory_space<hbm>> -> memref<64xi32, #tpu.memory_space<hbm>>
        %dma_start3A_35 = tpu.memref_slice %arg2[%add3A_17] : memref<8192xi32, #tpu.memory_space<hbm>> -> memref<64xi32, #tpu.memory_space<hbm>>
        tpu.enqueue_dma source(%dma_start3A_35 : memref<64xi32, #tpu.memory_space<hbm>>) target(%arg12 : memref<64xi32, #tpu.memory_space<vmem>>) target_semaphore(%run_scoped3A : memref<!tpu.dma_semaphore, #tpu.memory_space<semaphore_mem>>)
        %dma_wait3A_36 = tpu.memref_slice %arg2[%add3A_17] : memref<8192xi32, #tpu.memory_space<hbm>> -> memref<64xi32, #tpu.memory_space<hbm>>
        %dma_wait3A_37 = tpu.memref_slice %arg2[%add3A_17] : memref<8192xi32, #tpu.memory_space<hbm>> -> memref<64xi32, #tpu.memory_space<hbm>>
        tpu.wait_dma2 semaphore(%run_scoped3A : memref<!tpu.dma_semaphore, #tpu.memory_space<semaphore_mem>>) src(%dma_wait3A_37 : memref<64xi32, #tpu.memory_space<hbm>>) dst(%arg12 : memref<64xi32, #tpu.memory_space<vmem>>)
        tpu.yield
      }) : () -> ()
      "tpu.region"() ({
        %run_scoped3A = tpu.sem_alloc : memref<!tpu.dma_semaphore, #tpu.memory_space<semaphore_mem>>
        %dma_start3A_34 = tpu.memref_slice %arg3[%add3A_17] : memref<8192xi32, #tpu.memory_space<hbm>> -> memref<64xi32, #tpu.memory_space<hbm>>
        %dma_start3A_35 = tpu.memref_slice %arg3[%add3A_17] : memref<8192xi32, #tpu.memory_space<hbm>> -> memref<64xi32, #tpu.memory_space<hbm>>
        tpu.enqueue_dma source(%dma_start3A_35 : memref<64xi32, #tpu.memory_space<hbm>>) target(%arg13 : memref<64xi32, #tpu.memory_space<vmem>>) target_semaphore(%run_scoped3A : memref<!tpu.dma_semaphore, #tpu.memory_space<semaphore_mem>>)
        %dma_wait3A_36 = tpu.memref_slice %arg3[%add3A_17] : memref<8192xi32, #tpu.memory_space<hbm>> -> memref<64xi32, #tpu.memory_space<hbm>>
        %dma_wait3A_37 = tpu.memref_slice %arg3[%add3A_17] : memref<8192xi32, #tpu.memory_space<hbm>> -> memref<64xi32, #tpu.memory_space<hbm>>
        tpu.wait_dma2 semaphore(%run_scoped3A : memref<!tpu.dma_semaphore, #tpu.memory_space<semaphore_mem>>) src(%dma_wait3A_37 : memref<64xi32, #tpu.memory_space<hbm>>) dst(%arg13 : memref<64xi32, #tpu.memory_space<vmem>>)
        tpu.yield
      }) : () -> ()
      %scan3A_18 = arith.constant 0 : i32
      %scan3A_19 = arith.constant 0 : i32
      %scan3A_20 = arith.constant 4 : i32
      %scan3A_21 = arith.addi %scan3A_19, %scan3A_20 : i32
      %scan3A_22 = arith.constant 1 : i32
      scf.for %scan3A_34 = %scan3A_19 to %scan3A_21 step %scan3A_22  : i32 {
        %mul3A_35 = arith.constant 16 : i32
        %mul3A_36 = arith.muli %scan3A_34, %mul3A_35 : i32
        %get3A = arith.index_cast %mul3A_36 : i32 to index
        %get3A_37 = tpu.vector_load %arg13[%get3A] {strides = array<i32>} : memref<64xi32, #tpu.memory_space<vmem>>, vector<16xi32>,
        %convert_element_type3A = arith.sitofp %get3A_37 : vector<16xi32> to vector<16xf32>
        %swap3A = arith.index_cast %mul3A_36 : i32 to index
        %swap3A_38 = tpu.vector_load %arg14[%swap3A] {strides = array<i32>} : memref<64xf32, #tpu.memory_space<vmem>>, vector<16xf32>,
        tpu.vector_store %arg14[%swap3A], %convert_element_type3A {strides = array<i32>} : memref<64xf32, #tpu.memory_space<vmem>>, vector<16xf32>,
      }
      %scan3A_23 = arith.constant 4 : i32
      %dma_start3A = arith.constant 0 : i32
      %dma_start3A_24 = arith.constant 0 : i32
      %dma_start3A_25 = tpu.memref_slice %arg4[%dma_start3A, %dma_start3A_24] : memref<100000x768xf32, #tpu.memory_space<hbm>> -> memref<100000x768xf32, #tpu.memory_space<hbm>>
      tpu.enqueue_indirect_dma source(%dma_start3A_25 : memref<100000x768xf32, #tpu.memory_space<hbm>>) target(%arg9 : memref<64x768xf32, #tpu.memory_space<vmem>>) offsets(%arg12 : memref<64xi32, #tpu.memory_space<vmem>>) semaphore(%arg15 : memref<!tpu.dma_semaphore, #tpu.memory_space<semaphore_mem>>)
      %dma_wait3A = arith.constant 0 : i32
      %dma_wait3A_26 = arith.constant 0 : i32
      %dma_wait3A_27 = tpu.memref_slice %arg4[%dma_wait3A, %dma_wait3A_26] : memref<100000x768xf32, #tpu.memory_space<hbm>> -> memref<100000x768xf32, #tpu.memory_space<hbm>>
      tpu.wait_indirect_dma semaphore(%arg15 : memref<!tpu.dma_semaphore, #tpu.memory_space<semaphore_mem>>) src(%dma_wait3A_27 : memref<100000x768xf32, #tpu.memory_space<hbm>>) dst(%arg9 : memref<64x768xf32, #tpu.memory_space<vmem>>)
      %scan3A_28 = arith.constant 0 : i32
      %scan3A_29 = arith.constant 0 : i32
      %scan3A_30 = arith.constant 64 : i32
      %scan3A_31 = arith.addi %scan3A_29, %scan3A_30 : i32
      %scan3A_32 = arith.constant 1 : i32
      scf.for %scan3A_34 = %scan3A_29 to %scan3A_31 step %scan3A_32  : i32 {
        %broadcast_in_dim3A = vector.broadcast %scan3A_34 : i32 to vector<16xi32>
        %gather3A = tpu.vector_load_idx %arg14[%broadcast_in_dim3A] : memref<64xf32, #tpu.memory_space<vmem>>[vector<16xi32>], vector<16xf32>,
        %scan3A_35 = arith.constant 0 : i32
        %scan3A_36 = arith.constant 48 : i32
        %scan3A_37 = arith.addi %scan3A_35, %scan3A_36 : i32
        %scan3A_38 = arith.constant 4 : i32
        scf.for %scan3A_40 = %scan3A_35 to %scan3A_37 step %scan3A_38  : i32 {
          %mul3A_41 = arith.constant 16 : i32
          %mul3A_42 = arith.muli %scan3A_40, %mul3A_41 : i32
          %get3A = arith.index_cast %scan3A_34 : i32 to index
          %get3A_43 = arith.index_cast %mul3A_42 : i32 to index
          %get3A_44 = tpu.vector_load %arg8[%get3A, %get3A_43] {strides = array<i32>} : memref<64x768xf32, #tpu.memory_space<vmem>>, vector<16xf32>,
          %get3A_45 = arith.index_cast %mul3A_42 : i32 to index
          %get3A_46 = tpu.vector_load %arg11[%get3A_45] {strides = array<i32>} : memref<768xf32, #tpu.memory_space<vmem>>, vector<16xf32>,
          %mul3A_47 = arith.mulf %gather3A, %get3A_46 : vector<16xf32>
          %add3A_48 = arith.addf %get3A_44, %mul3A_47 : vector<16xf32>
          %swap3A = arith.index_cast %scan3A_34 : i32 to index
          %swap3A_49 = arith.index_cast %mul3A_42 : i32 to index
          %swap3A_50 = tpu.vector_load %arg9[%swap3A, %swap3A_49] {strides = array<i32>} : memref<64x768xf32, #tpu.memory_space<vmem>>, vector<16xf32>,
          tpu.vector_store %arg9[%swap3A, %swap3A_49], %add3A_48 {add = true, strides = array<i32>} : memref<64x768xf32, #tpu.memory_space<vmem>>, vector<16xf32>,
          %scan3A_51 = arith.constant 1 : i32
          %scan3A_52 = arith.addi %scan3A_40, %scan3A_51 : i32
          %mul3A_53 = arith.constant 16 : i32
          %mul3A_54 = arith.muli %scan3A_52, %mul3A_53 : i32
          %get3A_55 = arith.index_cast %scan3A_34 : i32 to index
          %get3A_56 = arith.index_cast %mul3A_54 : i32 to index
          %get3A_57 = tpu.vector_load %arg8[%get3A_55, %get3A_56] {strides = array<i32>} : memref<64x768xf32, #tpu.memory_space<vmem>>, vector<16xf32>,
          %get3A_58 = arith.index_cast %mul3A_54 : i32 to index
          %get3A_59 = tpu.vector_load %arg11[%get3A_58] {strides = array<i32>} : memref<768xf32, #tpu.memory_space<vmem>>, vector<16xf32>,
          %mul3A_60 = arith.mulf %gather3A, %get3A_59 : vector<16xf32>
          %add3A_61 = arith.addf %get3A_57, %mul3A_60 : vector<16xf32>
          %swap3A_62 = arith.index_cast %scan3A_34 : i32 to index
          %swap3A_63 = arith.index_cast %mul3A_54 : i32 to index
          %swap3A_64 = tpu.vector_load %arg9[%swap3A_62, %swap3A_63] {strides = array<i32>} : memref<64x768xf32, #tpu.memory_space<vmem>>, vector<16xf32>,
          tpu.vector_store %arg9[%swap3A_62, %swap3A_63], %add3A_61 {add = true, strides = array<i32>} : memref<64x768xf32, #tpu.memory_space<vmem>>, vector<16xf32>,
          %scan3A_65 = arith.constant 2 : i32
          %scan3A_66 = arith.addi %scan3A_40, %scan3A_65 : i32
          %mul3A_67 = arith.constant 16 : i32
          %mul3A_68 = arith.muli %scan3A_66, %mul3A_67 : i32
          %get3A_69 = arith.index_cast %scan3A_34 : i32 to index
          %get3A_70 = arith.index_cast %mul3A_68 : i32 to index
          %get3A_71 = tpu.vector_load %arg8[%get3A_69, %get3A_70] {strides = array<i32>} : memref<64x768xf32, #tpu.memory_space<vmem>>, vector<16xf32>,
          %get3A_72 = arith.index_cast %mul3A_68 : i32 to index
          %get3A_73 = tpu.vector_load %arg11[%get3A_72] {strides = array<i32>} : memref<768xf32, #tpu.memory_space<vmem>>, vector<16xf32>,
          %mul3A_74 = arith.mulf %gather3A, %get3A_73 : vector<16xf32>
          %add3A_75 = arith.addf %get3A_71, %mul3A_74 : vector<16xf32>
          %swap3A_76 = arith.index_cast %scan3A_34 : i32 to index
          %swap3A_77 = arith.index_cast %mul3A_68 : i32 to index
          %swap3A_78 = tpu.vector_load %arg9[%swap3A_76, %swap3A_77] {strides = array<i32>} : memref<64x768xf32, #tpu.memory_space<vmem>>, vector<16xf32>,
          tpu.vector_store %arg9[%swap3A_76, %swap3A_77], %add3A_75 {add = true, strides = array<i32>} : memref<64x768xf32, #tpu.memory_space<vmem>>, vector<16xf32>,
          %scan3A_79 = arith.constant 3 : i32
          %scan3A_80 = arith.addi %scan3A_40, %scan3A_79 : i32
          %mul3A_81 = arith.constant 16 : i32
          %mul3A_82 = arith.muli %scan3A_80, %mul3A_81 : i32
          %get3A_83 = arith.index_cast %scan3A_34 : i32 to index
          %get3A_84 = arith.index_cast %mul3A_82 : i32 to index
          %get3A_85 = tpu.vector_load %arg8[%get3A_83, %get3A_84] {strides = array<i32>} : memref<64x768xf32, #tpu.memory_space<vmem>>, vector<16xf32>,
          %get3A_86 = arith.index_cast %mul3A_82 : i32 to index
          %get3A_87 = tpu.vector_load %arg11[%get3A_86] {strides = array<i32>} : memref<768xf32, #tpu.memory_space<vmem>>, vector<16xf32>,
          %mul3A_88 = arith.mulf %gather3A, %get3A_87 : vector<16xf32>
          %add3A_89 = arith.addf %get3A_85, %mul3A_88 : vector<16xf32>
          %swap3A_90 = arith.index_cast %scan3A_34 : i32 to index
          %swap3A_91 = arith.index_cast %mul3A_82 : i32 to index
          %swap3A_92 = tpu.vector_load %arg9[%swap3A_90, %swap3A_91] {strides = array<i32>} : memref<64x768xf32, #tpu.memory_space<vmem>>, vector<16xf32>,
          tpu.vector_store %arg9[%swap3A_90, %swap3A_91], %add3A_89 {add = true, strides = array<i32>} : memref<64x768xf32, #tpu.memory_space<vmem>>, vector<16xf32>,
        }
        %scan3A_39 = arith.constant 48 : i32
      }
      %scan3A_33 = arith.constant 64 : i32
      "tpu.region"() ({
        %run_scoped3A = tpu.sem_alloc : memref<!tpu.dma_semaphore, #tpu.memory_space<semaphore_mem>>
        %dma_start3A_34 = arith.constant 0 : i32
        %dma_start3A_35 = tpu.memref_slice %arg7[%add3A_17, %dma_start3A_34] : memref<8192x768xf32, #tpu.memory_space<hbm>> -> memref<64x768xf32, #tpu.memory_space<hbm>>
        %dma_start3A_36 = arith.constant 0 : i32
        %dma_start3A_37 = tpu.memref_slice %arg7[%add3A_17, %dma_start3A_36] : memref<8192x768xf32, #tpu.memory_space<hbm>> -> memref<64x768xf32, #tpu.memory_space<hbm>>
        tpu.enqueue_dma source(%arg9 : memref<64x768xf32, #tpu.memory_space<vmem>>) target(%dma_start3A_37 : memref<64x768xf32, #tpu.memory_space<hbm>>) target_semaphore(%run_scoped3A : memref<!tpu.dma_semaphore, #tpu.memory_space<semaphore_mem>>)
        %dma_wait3A_38 = arith.constant 0 : i32
        %dma_wait3A_39 = tpu.memref_slice %arg7[%add3A_17, %dma_wait3A_38] : memref<8192x768xf32, #tpu.memory_space<hbm>> -> memref<64x768xf32, #tpu.memory_space<hbm>>
        %dma_wait3A_40 = arith.constant 0 : i32
        %dma_wait3A_41 = tpu.memref_slice %arg7[%add3A_17, %dma_wait3A_40] : memref<8192x768xf32, #tpu.memory_space<hbm>> -> memref<64x768xf32, #tpu.memory_space<hbm>>
        tpu.wait_dma2 semaphore(%run_scoped3A : memref<!tpu.dma_semaphore, #tpu.memory_space<semaphore_mem>>) src(%arg9 : memref<64x768xf32, #tpu.memory_space<vmem>>) dst(%dma_wait3A_41 : memref<64x768xf32, #tpu.memory_space<hbm>>)
        tpu.yield
      }) : () -> ()
    }
    %scan3A_13 = arith.constant 4 : i32
    return
  }
}

</mosaic_0001>

<sc_bundles>
// kernel: sc_embedding_lookup.3.cloned.1.call-start
scs
__scs_entry_jumppad:
0x0: {  	(pc) =	sbr.rel $0x88, $3  }
0x1: {  	(tag) =	ssettag $0x0;
	lr =	simm.s32 $0x1  }
0x2: {  	[smem:$0x3F9C] =	sst lr;
	_ =	strace $0xD0000000  }
0x3: {  	_ = 	snop  }
0x4: {  	_ = 	snop  }
0x5: {  	_ = 	snop  }
0x6: {  	_ = 	snop  }
0x7: {  	_ = 	snop  }
__scs_overlays_trampoline_lowered:
0x8: {  	[smem:$0x3FAB] =	sst s0  }
0x9: {  	[smem:$0x3FAC] =	sst s1  }
0xa: {  	[smem:$0x3FAD] =	sst s2  }
0xb: {  	[smem:$0x3FAE] =	sst s3  }
0xc: {  	[smem:$0x3FAF] =	sst s4  }
0xd: {  	[smem:$0x3FB0] =	sst s5  }
0xe: {  	[smem:$0x3FB1] =	sst s6  }
0xf: {  	[smem:$0x3FB2] =	sst s7  }
0x10: {  	[smem:$0x3FB3] =	sst s8  }
0x11: {  	[smem:$0x3FB4] =	sst s9;
	s0 =	simm.s32 @!p0 $0x0  }
0x12: {  	s1 =	sld [smem:$0x3F9A];
	s0 =	simm.s32 @p0 $0x1  }
0x13: {  	[smem:$0x3FB5] =	sst s0;
	s0 =	simm.s32 @!p1 $0x0  }
0x14: {  	s2 =	sld [smem:$0x3F99];
	s0 =	simm.s32 @p1 $0x1  }
0x15: {  	[smem:$0x3FB6] =	sst s0;
	s0 =	simm.s32 @!p2 $0x0  }
0x16: {  	s3 =	sld [smem:$0x3FDB];
	s0 =	simm.s32 @p2 $0x1  }
0x17: {  	s4 =	simm.s32 $0x1BF5;
	[smem:$0x3FB8] =	sst s0  }
0x18: {  	s0 =	sld [smem:$0x3F9B];
	_ =	swait.ge [sflag:s4], $0x0  }
0x19: {  	s7 =	sld [smem:$0x3F9C]  }
0x1a: {  	s8 =	sadd.s32 $0xFFFFE003, lr  }
0x1b: {  	s9 =	sadd.s32 $0xFFFFFEF7, lr;
	s5 =	simm.s32 $0xFFFFFFFF;
	p2 =	slt.u32 s8, $0xFFFFF086  }
0x1c: {  	p1 =	slt.u32 s9, $0xF7A;
	s5 =	simm.s32 @!p2 $0x0  }
0x1d: {  	s5 =	simm.s32 @p1 $0x1;
	p0 =	seq.s32 s7, s2  }
0x1e: {  	s7 =	smul.u32 @!p0 $0xF7A, s2;
	p2 =	seq.s32 @!p0 s5, $0x0  }
0x1f: {  	s9 =	smul.u32 $0xF7A, s1;
	s8 =	simm.s32 @!p0 $0x1BF5;
	p2 =	por !p2, p0  }
0x20: {  	[sflag:s8] =	ssyncset.s32 @!p0 $0xFFFFF086;
	s6 =	sadd.s32 @!p0 s3, s7;
	s7 =	simm.s32 @!p0 $0x108  }
0x21: {  	s3 =	sadd.s32 s3, s9;
	s6 =	sadd.s32 @!p0 $0x88, s6;
	s7 =	simm.s32 @p2 $0x1082  }
0x22: {  	[simem:s7], [sflag:s8] =	dma.local @!p0 [hbm:s6], $0xF7A  }
0x23: {  	s9 =	sor.u32 $0xD0000000, s2;
	s6 =	simm.s32 $0x108;
	_ =	swait.ge @!p0 [sflag:s8], $0x0  }
0x24: {  	s3 =	sadd.s32 $0x88, s3;
	s6 =	simm.s32 @!p1 $0x1082;
	[sflag:s4] =	ssyncset.s32 $0xFFFFF086  }
0x25: {  	[simem:s6], [sflag:s4] =	dma.local [hbm:s3], $0xF7A  }
0x26: {  	[smem:$0x3F9C] =	sst s1;
	(tag) =	ssettag s2;
	_ =	strace s9  }
0x27: {  	s1 =	sld [smem:$0x3FAC]  }
0x28: {  	s2 =	sld [smem:$0x3FAD]  }
0x29: {  	s4 =	sld [smem:$0x3FAF]  }
0x2a: {  	p0 =	seq.s32 s5, $0x0;
	s5 =	sld [smem:$0x3FB0]  }
0x2b: {  	s6 =	sld [smem:$0x3FB1]  }
0x2c: {  	s7 =	sld [smem:$0x3FB2]  }
0x2d: {  	s3 =	simm.s32 $0x108;
	s8 =	sld [smem:$0x3FB3]  }
0x2e: {  	s3 =	simm.s32 @!p0 $0x1082;
	s9 =	sld [smem:$0x3FB4]  }
0x2f: {  	lr =	sadd.s32 s0, s3;
	s0 =	sld [smem:$0x3FAB]  }
0x30: {  	s3 =	sld [smem:$0x3FAE]  }
0x31: {  	[smem:$0x3FB7] =	sst s10  }
0x32: {  	s10 =	sld [smem:$0x3FB5];
	_ =	sdelay $0x3  }
0x33: {  	p0 =	seq.s32 s10, $0x1;
	s10 =	sld [smem:$0x3FB7];
	_ =	sdelay $0x3  }
0x34: {  	[smem:$0x3FB7] =	sst s10  }
0x35: {  	s10 =	sld [smem:$0x3FB6];
	_ =	sdelay $0x3  }
0x36: {  	p1 =	seq.s32 s10, $0x1;
	s10 =	sld [smem:$0x3FB7];
	_ =	sdelay $0x3  }
0x37: {  	[smem:$0x3FB7] =	sst s10  }
0x38: {  	s10 =	sld [smem:$0x3FB8]  }
0x39: {  	_ = 	snop;
	(pc) =	sbr.ind lr, $3  }
0x3a: {  	_ = 	snop  }
0x3b: {  	_ = 	snop  }
0x3c: {  	p2 =	seq.s32 s10, $0x1;
	s10 =	sld [smem:$0x3FB7]  }
0x3d: {  	_ =	shalt  }
0x3e: {  	_ =	shalt  }
0x3f: {  	_ =	shalt  }
0x40: {  	_ =	shalt  }
0x41: {  	_ =	shalt  }
0x42: {  	_ =	shalt  }
0x43: {  	_ =	shalt  }
0x44: {  	_ =	shalt  }
0x45: {  	_ =	shalt  }
0x46: {  	_ =	shalt  }
0x47: {  	_ =	shalt  }
0x48: {  	_ =	shalt  }
0x49: {  	_ =	shalt  }
0x4a: {  	_ =	shalt  }
0x4b: {  	_ =	shalt  }
0x4c: {  	_ =	shalt  }
0x4d: {  	_ =	shalt  }
0x4e: {  	_ =	shalt  }
0x4f: {  	_ =	shalt  }
0x50: {  	_ =	shalt  }
0x51: {  	_ =	shalt  }
0x52: {  	_ =	shalt  }
0x53: {  	_ =	shalt  }
0x54: {  	_ =	shalt  }
0x55: {  	_ =	shalt  }
0x56: {  	_ =	shalt  }
0x57: {  	_ =	shalt  }
0x58: {  	_ =	shalt  }
0x59: {  	_ =	shalt  }
0x5a: {  	_ =	shalt  }
0x5b: {  	_ =	shalt  }
0x5c: {  	_ =	shalt  }
0x5d: {  	_ =	shalt  }
0x5e: {  	_ =	shalt  }
0x5f: {  	_ =	shalt  }
0x60: {  	_ =	shalt  }
0x61: {  	_ =	shalt  }
0x62: {  	_ =	shalt  }
0x63: {  	_ =	shalt  }
0x64: {  	_ =	shalt  }
0x65: {  	_ =	shalt  }
0x66: {  	_ =	shalt  }
0x67: {  	_ =	shalt  }
0x68: {  	_ =	shalt  }
0x69: {  	_ =	shalt  }
0x6a: {  	_ =	shalt  }
0x6b: {  	_ =	shalt  }
0x6c: {  	_ =	shalt  }
0x6d: {  	_ =	shalt  }
0x6e: {  	_ =	shalt  }
0x6f: {  	_ =	shalt  }
0x70: {  	_ =	shalt  }
0x71: {  	_ =	shalt  }
0x72: {  	_ =	shalt  }
0x73: {  	_ =	shalt  }
0x74: {  	_ =	shalt  }
0x75: {  	_ =	shalt  }
0x76: {  	_ =	shalt  }
0x77: {  	_ =	shalt  }
0x78: {  	_ =	shalt  }
0x79: {  	_ =	shalt  }
0x7a: {  	_ =	shalt  }
0x7b: {  	_ =	shalt  }
0x7c: {  	_ =	shalt  }
0x7d: {  	_ =	shalt  }
0x7e: {  	_ =	shalt  }
0x7f: {  	_ =	shalt  }
0x80: {  	_ =	shalt  }
0x81: {  	_ =	shalt  }
0x82: {  	_ =	shalt  }
0x83: {  	_ =	shalt  }
0x84: {  	_ =	shalt  }
0x85: {  	_ =	shalt  }
0x86: {  	_ =	shalt  }
0x87: {  	_ =	shalt  }
.Lfunc_end0:
.L_simem_size_0:
called_computation_lowered:
.L_overlay_start_0:
0x88: {  	s2 =	sld [smem:$0x3FD9]  }
0x89: {  	s3 =	sld [smem:$0x3FFE];
	_ =	sdelay $0x1  }
0x8a: {  	s1 =	srdreg.scid  }
0x8b: {  	s0 =	sand.u32 $0x1, s1  }
0x8c: {  	s17 =	sshll.u32 s0, $0xA;
	s2 =	sadd.s32 s3, s2  }
0x8d: {  	s2 =	sadd.s32 s2, s17  }
0x8e: {  	[smem:$0x3FC3] =	sst s2  }
0x8f: {  	_ = 	snop  }
0x90: {  	s2 =	sld [smem:$0x3FC7]  }
0x91: {  	s18 =	sld [smem:$0x3FC6]  }
0x92: {  	s4 =	sld [smem:$0x3FC5]  }
0x93: {  	s5 =	sld [smem:$0x3FD0];
	(tm) =	ssettm $0x1  }
0x94: {  	s6 =	sld [smem:$0x3FFB];
	_ =	sdelay $0x3  }
0x95: {  	_ =	strace s6  }
0x96: {  	s6 =	sld [smem:$0x3FFC];
	_ =	sdelay $0x3  }
0x97: {  	_ =	strace s6  }
0x98: {  	s6 =	sld [smem:$0x3FFD];
	_ =	sdelay $0x3  }
0x99: {  	_ =	strace s6  }
0x9a: {  	_ =	strace $0x8FFFFFFF  }
0x9b: {  	s19 =	sld [smem:$0x3FDB];
	_ =	sdelay $0x1  }
0x9c: {  	s7 =	simm.s32 $_scs_section_size  }
0x9d: {  	s8 =	simm.s32 $_size__tile_overlayer_lowered;
	s9 =	simm.s32 $_tile_overlayer_lowered  }
0x9e: {  	s22 =	simm.s32 $0x1BFF;
	s21 =	sshll.u32 s9, $0x1;
	s6 =	sadd.s32 s7, s19  }
0x9f: {  	s10 =	simm.s32 $0x0;
	s20 =	sshll.u32 s8, $0x1;
	s8 =	sadd.s32 s21, s6  }
0xa0: {  	[timem:s10], [sflag:s22] =	dma.local [hbm:s8], s20  }
0xa1: {  	_ =	swait.ge [sflag:s22], s20  }
0xa2: {  	s7 =	ssub.s32 $0x0, s20;
	[sflag:s22] =	ssyncset.done $0x0  }
0xa3: {  	[sflag:s22] =	ssyncadd.s32 s7;
	_ =	sdelay $0x1  }
0xa4: {  	s23 =	simm.s32 $0x1B8B  }
0xa5: {  	_ =	swait.ge [sflag:s23], $0x1  }
0xa6: {  	[sflag:s23] =	ssyncset.done $0x0  }
0xa7: {  	s25 =	simm.s32 $0x1B8E;
	s24 =	sld [smem:$0x3FFE];
	[sflag:s23] =	ssyncadd.s32 $0xFFFFFFFF  }
0xa8: {  	s26 =	simm.s32 $execute0_lowered;
	[smem:$0x3FD2] =	sst s25  }
0xa9: {  	s8 =	sshll.u32 s26, $0x1;
	_ =	strace $0x80000046;
	[dreg:$0x1] =	wrdreg $0xFFFFFFFF  }
0xaa: {  	s28 =	simm.s32 $_size_execute0_lowered;
	s6 =	sadd.s32 s6, s8;
	[dreg:$0x0] =	wrdreg $0x0  }
0xab: {  	s8 =	sshll.u32 s28, $0x1;
	[dreg:$0x2] =	wrdreg s6  }
0xac: {  	[dreg:$0x3] =	wrdreg s8  }
0xad: {  	[dreg:$0x4] =	wrdreg $0xC0  }
0xae: {  	_ =	task [dreg:s10], $0x5FFFF  }
0xaf: {  	[dreg:$0x1] =	wrdreg $0xFFFFFFFF  }
0xb0: {  	[dreg:$0x0] =	wrdreg $0x60  }
0xb1: {  	[dreg:$0x2] =	wrdreg s24  }
0xb2: {  	[dreg:$0x3] =	wrdreg s2  }
0xb3: {  	[dreg:$0x4] =	wrdreg s18  }
0xb4: {  	[dreg:$0x5] =	wrdreg s4  }
0xb5: {  	[dreg:$0x6] =	wrdreg s5  }
0xb6: {  	[dreg:$0x7] =	wrdreg $0x9  }
0xb7: {  	_ =	task.clear_ibuf [dreg:s10], $0x8FFFF;
	_ =	strace $0x90000046  }
0xb8: {  	s29 =	simm.s32 $0x9;
	_ =	strace $0x80000048  }
0xb9: {  	_ =	swait.ge [sflag:s29], $0x1  }
0xba: {  	[sflag:s29] =	ssyncadd.s32 $0xFFFFFFFF  }
0xbb: {  	_ =	strace $0x90000048  }
0xbc: {  	_ =	sfence  }
0xbd: {  	s30 =	sld [smem:$0x0];
	_ =	sdelay $0x2  }
0xbe: {  	s31 =	sshll.u32 s1, $0xD;
	s1 =	sshrl.u32 s1, $0x2  }
0xbf: {  	s3 =	sand.u32 $0x4000, s31;
	s1 =	sadd.s32 s1, s30  }
0xc0: {  	s0 =	sor.u32 s3, s0;
	s1 =	sshll.u32 s1, $0x11  }
0xc1: {  	s0 =	sor.u32 s1, s0  }
0xc2: {  	s0 =	sadd.s32 $0x8F2B, s0  }
0xc3: {  	[sflag:s0] =	ssyncadd.remote.s32 $0x1  }
0xc4: {  	_ =	sfence.sel $0xFFFF  }
0xc5: {  	[dreg:$0x0] =	wrdreg $0xFFFFFFFF;
	(pc) =	sbr.abs _section_cstart, $3  }
0xc6: {  	[dreg:$0x1] =	wrdreg $0xFFFFFFFF  }
0xc7: {  	_ =	task.clear_ibuf [dreg:s10], $0x2FFFF;
	_ =	strace $0x9FFFFFFF  }
0xc8: {  	(tm) =	ssettm $0x7FFFFFFF  }
0xc9: {  	_ =	shalt  }
tec
execute0_lowered:
.L_overlay_start_1:
0x0: {  	(tag) =	ssettag $0x1  }
0x1: {  	s0 =	rddreg [dreg:$0x0]  }
0x2: {  	s1 =	rddreg [dreg:$0x1];
	s2 =	srdreg.scid  }
0x3: {  	s3 =	rddreg [dreg:$0x3];
	s4 =	stileid.u32;
	s7 =	simm.s32 $0x0  }
0x4: {  	s13 =	simm.s32 $0x2;
	s17 =	simm.s32 $0xC000;
	s12 =	simm.s32 $0x15800  }
0x5: {  	s15 =	simm.s32 $0x16800;
	s16 =	simm.s32 $0x17000;
	s18 =	simm.s32 $0x17800  }
0x6: {  	s19 =	simm.s32 $0x1;
	s20 =	simm.s32 $0x18A00;
	s2 =	sand.u32 $0x1, s2  }
0x7: {  	s9 =	simm.s32 $0x0;
	s4 =	sshll.u32 s4, $0x7;
	s5 =	sshll.u32 s2, $0x6  }
0x8: {  	[smem:$0x7FF] =	sst s7;
	s2 =	ssub.s32 $0x2, s2;
	s6 =	sor.u32 s5, s4  }
0x9: {  	s7 =	sadd.s32 $0x400, s0;
	s30 =	sshrl.u32 s2, $0x1;
	s4 =	sshrl.u32 s6, $0x3  }
0xa: {  	s8 =	sadd.s32 $0x800, s0;
	s0 =	ssub.s32 s2, s30;
	s4 =	smul.u32 $0x300, s4  }
0xb: {  	v2 =	vlaneseq.u32;
	s10 =	sadd.s32 $0x100, s1;
	s11 =	sadd.s32 $0x200, s1;
	s0 =	smax.u32 s0, $0x1  }
0xc: {  	vm0 =	vmmov $0xffff;
	v1 =	vshrl.u32 v2, $0x3;
	_ =	strace $0x80000047;
	[dreg:$0x7] =	wrdreg s0;
	s31 =	sadd.s32 s3, s4  }
0xd: {  	v0 =	vand.u32 $0x7, v2;
	v2 =	vor.u32 $0x8, v2;
	v1 =	vmul.u32 $0x8, v1;
	s2 =	simm.s32 $0x0;
	s4 =	simm.s32 $0x16000;
	[dreg:$0x6] =	wrdreg s31  }
.LBB2_1:
0xe: {  	[dreg:$0x8] =	wrdreg s2  }
0xf: {  	s30 =	simm.s32 $0x0;
	s0 =	rddreg [dreg:$0x6]  }
0x10: {  	[tilespmem:s30], [sflag:$0x2] =	stream.linear.gather [hbm4b:s0+s30], $0xC000, $0x38;
	[tilespmem:$0x18A80] =	vst v63  }
0x11: {  	_ =	swait.ge [sflag:s13], $0xC000  }
0x12: {  	[sflag:s13] =	ssyncset.done $0x0  }
0x13: {  	[sflag:s13] =	ssyncadd.s32 $0xFFFF4000  }
0x14: {  	s3 =	simm.s32 $0x18000;
	s31 =	rddreg [dreg:$0x2]  }
0x15: {  	[tilespmem:s3], [sflag:$0x2] =	stream.linear.gather [hbm4b:s31+s30], $0x600, $0x38;
	[tilespmem:$0x18A80] =	vst v63  }
0x16: {  	_ =	swait.ge [sflag:s13], $0x600  }
0x17: {  	[sflag:s13] =	ssyncset.done $0x0  }
0x18: {  	s5 =	simm.s32 $0x0;
	[sflag:s13] =	ssyncadd.s32 $0xFFFFFA00  }
.LBB2_2:
0x19: {  	s3 =	sshll.u32 s5, $0x7  }
0x1a: {  	s24 =	sshll.u32 s5, $0x4;
	s22 =	sshra.s32 s3, $0x2  }
0x1b: {  	s21 =	sand.u32 $0x70, s24;
	s22 =	sand.u32 $0xFFFFFF00, s22  }
0x1c: {  	s22 =	sor.u32 s21, s22  }
0x1d: {  	s23 =	sadd.s32 $0x18000, s22;
	v3 =	vld [tilespmem:s22+$0x18000]  }
0x1e: {  	s30 =	simm.s32 $0x0;
	v4 =	vld [tilespmem:s23+$0x80]  }
0x1f: {  	s25 =	smul.u32 $0x6000, s30;
	_ =	sdelay $0x1  }
0x20: {  	s31 =	simm.s32 $0x0;
	s25 =	sshra.s32 s25, $0x2  }
0x21: {  	s22 =	simm.s32 $0x0;
	s23 =	sand.u32 $0x3FFFFC00, s3;
	s3 =	smul.u32 $0x6000, s31  }
0x22: {  	s26 =	sand.u32 $0x200, s22;
	s25 =	sadd.s32 s25, s23;
	v4 =	vsub.f32 v4, v3  }
0x23: {  	s3 =	sshra.s32 s3, $0x2;
	s26 =	sadd.s32 s26, s25  }
0x24: {  	s25 =	simm.s32 $0x4;
	s26 =	sadd.s32 s21, s26;
	[tilespmem:s24+$0x18600] =	vst v4;
	s24 =	sadd.s32 s3, s23  }
.LBB2_3:
0x25: {  	s25 =	sadd.s32 $0x4, s25  }
0x26: {  	[tilespmem:s26+$0x180] =	vst.add.f32.msk $0xffff, v3;
	s22 =	sadd.s32 $0x200, s22;
	p0 =	slt.u32 s25, $0x3C  }
.Ltmp0:
0x27: {  	s3 =	sshrl.u32 s25, $0x3;
	[tilespmem:s26+$0x100] =	vst.add.f32.msk $0xffff, v3;
	(pc) =	sbr.rel @p0 .LBB2_3-.Ltmp0, $4  }
0x28: {  	s3 =	smul.u32 $0x6000, s3;
	[tilespmem:s26+$0x0] =	vst.add.f32.msk $0xffff, v3  }
0x29: {  	s28 =	sand.u32 $0x200, s22;
	[tilespmem:s26+$0x80] =	vst.add.f32.msk $0xffff, v3  }
0x2a: {  	s26 =	sadd.s32 s28, s24;
	s3 =	sshra.s32 s3, $0x2  }
0x2b: {  	s26 =	sadd.s32 s21, s26;
	s24 =	sadd.s32 s3, s23  }
0x2c: {  	[tilespmem:s26+$0x180] =	vst.add.f32.msk $0xffff, v3;
	s3 =	sadd.s32 $0x200, s22  }
0x2d: {  	[tilespmem:s26+$0x100] =	vst.add.f32.msk $0xffff, v3;
	s5 =	sadd.s32 $0x1, s5;
	s3 =	sand.u32 $0x200, s3  }
0x2e: {  	[tilespmem:s26+$0x0] =	vst.add.f32.msk $0xffff, v3;
	p0 =	sne.s32 s5, $0x30;
	s3 =	sadd.s32 s3, s24  }
.Ltmp1:
0x2f: {  	[tilespmem:s26+$0x80] =	vst.add.f32.msk $0xffff, v3;
	s3 =	sadd.s32 s21, s3;
	(pc) =	sbr.rel @p0 .LBB2_2-.Ltmp1, $4  }
0x30: {  	[tilespmem:s3+$0x180] =	vst.add.f32.msk $0xffff, v3  }
0x31: {  	[tilespmem:s3+$0x100] =	vst.add.f32.msk $0xffff, v3  }
0x32: {  	[tilespmem:s3+$0x0] =	vst.add.f32.msk $0xffff, v3  }
0x33: {  	s21 =	simm.s32 $0x0;
	[tilespmem:s3+$0x80] =	vst.add.f32.msk $0xffff, v3  }
0x34: {  	s22 =	simm.s32 $0x0  }
.LBB2_6:
0x35: {  	s3 =	sshll.u32 s22, $0xB  }
0x36: {  	s3 =	sor.u32 s6, s3  }
0x37: {  	s23 =	sshrl.u32 s3, $0x3  }
0x38: {  	s0 =	simm.s32 $0x18900;
	s3 =	sadd.s32 s7, s23  }
0x39: {  	[tilespmem:s0], [sflag:$0x2] =	stream.linear.gather [hbm4b:s3+s21], $0x40, $0x38;
	[tilespmem:$0x18A80] =	vst v63  }
0x3a: {  	_ =	swait.ge [sflag:s13], $0x40  }
0x3b: {  	[sflag:s13] =	ssyncset.done $0x0  }
0x3c: {  	s14 =	simm.s32 $0x18980;
	s5 =	sadd.s32 s8, s23;
	[sflag:s13] =	ssyncadd.s32 $0xFFFFFFC0  }
0x3d: {  	[tilespmem:s14], [sflag:$0x2] =	stream.linear.gather [hbm4b:s5+s21], $0x40, $0x38;
	[tilespmem:$0x18A80] =	vst v63  }
0x3e: {  	_ =	swait.ge [sflag:s13], $0x40  }
0x3f: {  	[sflag:s13] =	ssyncset.done $0x0  }
0x40: {  	[sflag:s13] =	ssyncadd.s32 $0xFFFFFFC0  }
0x41: {  	v3 =	vld [tilespmem:$0x18900];
	_ =	sdelay $0x4  }
0x42: {  	v4 =	vld [tilespmem:$0x18980];
	v5 =	vshrl.u32 v3, $0x3  }
0x43: {  	v6 =	vld [tilespmem:$0x18990];
	v5 =	vmul.u32 $0x30, v5  }
0x44: {  	v7 =	vld [tilespmem:$0x189A0];
	v3 =	vand.u32 $0x7, v3  }
0x45: {  	v8 =	vld [tilespmem:$0x189B0];
	v3 =	vor.u32 v3, v5  }
0x46: {  	v5 =	vperm.xlane v3, v0  }
0x47: {  	v4 =	vcvt.s32.f32 v4  }
0x48: {  	v6 =	vcvt.s32.f32 v6;
	v5 =	vadd.s32 v1, v5  }
0x49: {  	v59 =	vcvt.s32.f32 v7;
	[tilespmem:$0x18A00] =	vst v4  }
0x4a: {  	v60 =	vcvt.s32.f32 v8;
	[tilespmem:$0x18A10] =	vst v6  }
0x4b: {  	[tilespmem:$0x18A20] =	vst v59  }
0x4c: {  	[tilespmem:$0x18A30] =	vst v60;
	v3 =	vperm.xlane v3, v2  }
0x4d: {  	[tilespmem:s17], [sflag:$0x1] =	stream.indirect_vreg.gather [hbm4b:s1+s21], $0x80, v5, vm0, $0xb8;
	[tilespmem:$0x18A80] =	vst v63  }
0x4e: {  	s24 =	simm.s32 $0xC800;
	v3 =	vadd.s32 v1, v3  }
0x4f: {  	[tilespmem:s24], [sflag:$0x1] =	stream.indirect_vreg.gather [hbm4b:s10+s21], $0x80, v5, vm0, $0xb8;
	[tilespmem:$0x18A80] =	vst v63  }
0x50: {  	s25 =	simm.s32 $0xD000  }
0x51: {  	[tilespmem:s25], [sflag:$0x1] =	stream.indirect_vreg.gather [hbm4b:s11+s21], $0x80, v5, vm0, $0xb8;
	[tilespmem:$0x18A80] =	vst v63  }
0x52: {  	s26 =	simm.s32 $0xD800  }
0x53: {  	[tilespmem:s26], [sflag:$0x1] =	stream.indirect_vreg.gather [hbm4b:s1+s21], $0x80, v3, vm0, $0xb8;
	[tilespmem:$0x18A80] =	vst v63  }
0x54: {  	s28 =	simm.s32 $0xE000  }
0x55: {  	[tilespmem:s28], [sflag:$0x1] =	stream.indirect_vreg.gather [hbm4b:s10+s21], $0x80, v3, vm0, $0xb8;
	[tilespmem:$0x18A80] =	vst v63  }
0x56: {  	s29 =	simm.s32 $0xE800  }
0x57: {  	[tilespmem:s29], [sflag:$0x1] =	stream.indirect_vreg.gather [hbm4b:s11+s21], $0x80, v3, vm0, $0xb8;
	[tilespmem:$0x18A80] =	vst v63  }
0x58: {  	v3 =	vld [tilespmem:$0x18910];
	_ =	sdelay $0x4  }
0x59: {  	v61 =	vshrl.u32 v3, $0x3  }
0x5a: {  	v4 =	vmul.u32 $0x30, v61  }
0x5b: {  	v3 =	vand.u32 $0x7, v3  }
0x5c: {  	v3 =	vor.u32 v3, v4  }
0x5d: {  	v4 =	vperm.xlane v3, v0;
	_ =	sdelay $0x1  }
0x5e: {  	v4 =	vadd.s32 v1, v4;
	_ =	sdelay $0x3  }
0x5f: {  	s30 =	simm.s32 $0xF000;
	v3 =	vperm.xlane v3, v2  }
0x60: {  	[tilespmem:s30], [sflag:$0x1] =	stream.indirect_vreg.gather [hbm4b:s1+s21], $0x80, v4, vm0, $0xb8;
	[tilespmem:$0x18A80] =	vst v63  }
0x61: {  	s31 =	simm.s32 $0xF800;
	v3 =	vadd.s32 v1, v3  }
0x62: {  	[tilespmem:s31], [sflag:$0x1] =	stream.indirect_vreg.gather [hbm4b:s10+s21], $0x80, v4, vm0, $0xb8;
	[tilespmem:$0x18A80] =	vst v63  }
0x63: {  	s2 =	simm.s32 $0x10000  }
0x64: {  	[tilespmem:s2], [sflag:$0x1] =	stream.indirect_vreg.gather [hbm4b:s11+s21], $0x80, v4, vm0, $0xb8;
	[tilespmem:$0x18A80] =	vst v63  }
0x65: {  	s3 =	simm.s32 $0x10800  }
0x66: {  	[tilespmem:s3], [sflag:$0x1] =	stream.indirect_vreg.gather [hbm4b:s1+s21], $0x80, v3, vm0, $0xb8;
	[tilespmem:$0x18A80] =	vst v63  }
0x67: {  	s5 =	simm.s32 $0x11000  }
0x68: {  	[tilespmem:s5], [sflag:$0x1] =	stream.indirect_vreg.gather [hbm4b:s10+s21], $0x80, v3, vm0, $0xb8;
	[tilespmem:$0x18A80] =	vst v63  }
0x69: {  	s14 =	simm.s32 $0x11800  }
0x6a: {  	[tilespmem:s14], [sflag:$0x1] =	stream.indirect_vreg.gather [hbm4b:s11+s21], $0x80, v3, vm0, $0xb8;
	[tilespmem:$0x18A80] =	vst v63  }
0x6b: {  	v3 =	vld [tilespmem:$0x18920];
	_ =	sdelay $0x4  }
0x6c: {  	v62 =	vshrl.u32 v3, $0x3  }
0x6d: {  	v4 =	vmul.u32 $0x30, v62  }
0x6e: {  	v3 =	vand.u32 $0x7, v3  }
0x6f: {  	v3 =	vor.u32 v3, v4  }
0x70: {  	v4 =	vperm.xlane v3, v0;
	_ =	sdelay $0x1  }
0x71: {  	v4 =	vadd.s32 v1, v4;
	_ =	sdelay $0x3  }
0x72: {  	s24 =	simm.s32 $0x12000;
	v3 =	vperm.xlane v3, v2  }
0x73: {  	[tilespmem:s24], [sflag:$0x1] =	stream.indirect_vreg.gather [hbm4b:s1+s21], $0x80, v4, vm0, $0xb8;
	[tilespmem:$0x18A80] =	vst v63  }
0x74: {  	s25 =	simm.s32 $0x12800;
	v3 =	vadd.s32 v1, v3  }
0x75: {  	[tilespmem:s25], [sflag:$0x1] =	stream.indirect_vreg.gather [hbm4b:s10+s21], $0x80, v4, vm0, $0xb8;
	[tilespmem:$0x18A80] =	vst v63  }
0x76: {  	s26 =	simm.s32 $0x13000  }
0x77: {  	[tilespmem:s26], [sflag:$0x1] =	stream.indirect_vreg.gather [hbm4b:s11+s21], $0x80, v4, vm0, $0xb8;
	[tilespmem:$0x18A80] =	vst v63  }
0x78: {  	s28 =	simm.s32 $0x13800  }
0x79: {  	[tilespmem:s28], [sflag:$0x1] =	stream.indirect_vreg.gather [hbm4b:s1+s21], $0x80, v3, vm0, $0xb8;
	[tilespmem:$0x18A80] =	vst v63  }
0x7a: {  	s29 =	simm.s32 $0x14000  }
0x7b: {  	[tilespmem:s29], [sflag:$0x1] =	stream.indirect_vreg.gather [hbm4b:s10+s21], $0x80, v3, vm0, $0xb8;
	[tilespmem:$0x18A80] =	vst v63  }
0x7c: {  	s30 =	simm.s32 $0x14800  }
0x7d: {  	[tilespmem:s30], [sflag:$0x1] =	stream.indirect_vreg.gather [hbm4b:s11+s21], $0x80, v3, vm0, $0xb8;
	[tilespmem:$0x18A80] =	vst v63  }
0x7e: {  	v3 =	vld [tilespmem:$0x18930];
	_ =	sdelay $0x4  }
0x7f: {  	v63 =	vshrl.u32 v3, $0x3  }
0x80: {  	v4 =	vmul.u32 $0x30, v63  }
0x81: {  	v3 =	vand.u32 $0x7, v3  }
0x82: {  	v3 =	vor.u32 v3, v4  }
0x83: {  	v4 =	vperm.xlane v3, v0;
	_ =	sdelay $0x1  }
0x84: {  	v4 =	vadd.s32 v1, v4;
	_ =	sdelay $0x3  }
0x85: {  	s31 =	simm.s32 $0x15000;
	v3 =	vperm.xlane v3, v2  }
0x86: {  	[tilespmem:s31], [sflag:$0x1] =	stream.indirect_vreg.gather [hbm4b:s1+s21], $0x80, v4, vm0, $0xb8;
	[tilespmem:$0x18A80] =	vst v63  }
0x87: {  	v3 =	vadd.s32 v1, v3  }
0x88: {  	[tilespmem:s12], [sflag:$0x1] =	stream.indirect_vreg.gather [hbm4b:s10+s21], $0x80, v4, vm0, $0xb8;
	[tilespmem:$0x18A80] =	vst v63  }
0x89: {  	_ = 	snop  }
0x8a: {  	[tilespmem:s4], [sflag:$0x1] =	stream.indirect_vreg.gather [hbm4b:s11+s21], $0x80, v4, vm0, $0xb8;
	[tilespmem:$0x18A80] =	vst v63  }
0x8b: {  	_ = 	snop  }
0x8c: {  	[tilespmem:s15], [sflag:$0x1] =	stream.indirect_vreg.gather [hbm4b:s1+s21], $0x80, v3, vm0, $0xb8;
	[tilespmem:$0x18A80] =	vst v63  }
0x8d: {  	_ = 	snop  }
0x8e: {  	[tilespmem:s16], [sflag:$0x1] =	stream.indirect_vreg.gather [hbm4b:s10+s21], $0x80, v3, vm0, $0xb8;
	[tilespmem:$0x18A80] =	vst v63  }
0x8f: {  	_ = 	snop  }
0x90: {  	[tilespmem:s18], [sflag:$0x1] =	stream.indirect_vreg.gather [hbm4b:s11+s21], $0x80, v3, vm0, $0xb8;
	[tilespmem:$0x18A80] =	vst v63  }
0x91: {  	_ =	swait.ge [sflag:s19], $0xC000  }
0x92: {  	[sflag:s19] =	ssyncset.done $0x0  }
0x93: {  	s5 =	simm.s32 $0x0;
	[sflag:s19] =	ssyncadd.s32 $0xFFFF4000  }
.LBB2_7:
0x94: {  	v3 =	vmov s5  }
0x95: {  	s3 =	sshrl.u32 s5, $0x3  }
0x96: {  	s24 =	simm.s32 $0x0;
	s25 =	smul.u32 $0x1800, s3  }
0x97: {  	s2 =	sshll.u32 s5, $0x7;
	s14 =	simm.s32 $0x18600;
	s28 =	sand.u32 $0x1C00, s24  }
0x98: {  	s26 =	sand.u32 $0x380, s2;
	v4 =	vld [tilespmem:s14+$0x0];
	s28 =	sadd.s32 s25, s28  }
0x99: {  	s29 =	sand.u32 $0x40, s24;
	s28 =	sor.u32 s26, s28;
	v3 =	vld.idx.msk [tilespmem:v3+s20+$0x0], $0xffff  }
0x9a: {  	s0 =	sor.u32 s29, s28  }
0x9b: {  	v5 =	vld [tilespmem:s0+$0x0];
	_ =	sdelay $0x2  }
0x9c: {  	v4 =	vmul.f32 v4, v3;
	_ =	sdelay $0x1  }
0x9d: {  	s30 =	sand.u32 $0x380, s24;
	v4 =	vadd.f32 v4, v5  }
0x9e: {  	s31 =	sor.u32 $0x10, s29;
	s30 =	sadd.s32 $0x18600, s30  }
0x9f: {  	s2 =	sor.u32 s31, s30;
	[tilespmem:s0+$0xC000] =	vst.add.f32.msk $0xffff, v4  }
0xa0: {  	v4 =	vld [tilespmem:s2+$0x0]  }
0xa1: {  	s14 =	sor.u32 s31, s28  }
0xa2: {  	v5 =	vld [tilespmem:s14+$0x0];
	_ =	sdelay $0x2  }
0xa3: {  	v4 =	vmul.f32 v4, v3;
	_ =	sdelay $0x1  }
0xa4: {  	v4 =	vadd.f32 v4, v5  }
0xa5: {  	s31 =	sor.u32 $0x20, s29  }
0xa6: {  	s0 =	sor.u32 s31, s30;
	[tilespmem:s14+$0xC000] =	vst.add.f32.msk $0xffff, v4  }
0xa7: {  	v4 =	vld [tilespmem:s0+$0x0]  }
0xa8: {  	s2 =	sor.u32 s31, s28  }
0xa9: {  	v5 =	vld [tilespmem:s2+$0x0];
	_ =	sdelay $0x2  }
0xaa: {  	v4 =	vmul.f32 v4, v3;
	_ =	sdelay $0x1  }
0xab: {  	v4 =	vadd.f32 v4, v5  }
0xac: {  	s29 =	sor.u32 $0x30, s29  }
0xad: {  	s14 =	sor.u32 s29, s30;
	[tilespmem:s2+$0xC000] =	vst.add.f32.msk $0xffff, v4  }
0xae: {  	v4 =	vld [tilespmem:s14+$0x0]  }
0xaf: {  	s31 =	sor.u32 s29, s28  }
0xb0: {  	v5 =	vld [tilespmem:s31+$0x0];
	_ =	sdelay $0x2  }
0xb1: {  	v4 =	vmul.f32 v4, v3;
	_ =	sdelay $0x1  }
0xb2: {  	s29 =	simm.s32 $0x200;
	v4 =	vadd.f32 v4, v5  }
0xb3: {  	s28 =	simm.s32 $0x18640;
	s30 =	simm.s32 $0x4;
	s3 =	sand.u32 $0x1C00, s29  }
.LBB2_8:
0xb4: {  	s30 =	sadd.s32 $0x4, s30;
	s3 =	sadd.s32 s25, s3;
	[tilespmem:s31+$0xC000] =	vst.add.f32.msk $0xffff, v4;
	s24 =	sadd.s32 $0x40, s24  }
0xb5: {  	p0 =	slt.u32 s30, $0x2C;
	s31 =	sand.u32 $0x40, s24;
	s3 =	sor.u32 s26, s3;
	v4 =	vld [tilespmem:s28+$0x0]  }
0xb6: {  	s0 =	sor.u32 s31, s3  }
0xb7: {  	v5 =	vld [tilespmem:s0+$0x0];
	_ =	sdelay $0x2  }
0xb8: {  	v4 =	vmul.f32 v4, v3;
	_ =	sdelay $0x1  }
0xb9: {  	s2 =	sand.u32 $0x380, s24;
	v4 =	vadd.f32 v4, v5  }
0xba: {  	s14 =	sor.u32 $0x10, s31;
	s2 =	sadd.s32 $0x18600, s2  }
0xbb: {  	[tilespmem:s0+$0xC000] =	vst.add.f32.msk $0xffff, v4;
	s0 =	sor.u32 s14, s2  }
0xbc: {  	v4 =	vld [tilespmem:s0+$0x0]  }
0xbd: {  	s0 =	sor.u32 s14, s3  }
0xbe: {  	v5 =	vld [tilespmem:s0+$0x0];
	_ =	sdelay $0x2  }
0xbf: {  	v4 =	vmul.f32 v4, v3;
	_ =	sdelay $0x1  }
0xc0: {  	v4 =	vadd.f32 v4, v5  }
0xc1: {  	s14 =	sor.u32 $0x20, s31  }
0xc2: {  	[tilespmem:s0+$0xC000] =	vst.add.f32.msk $0xffff, v4;
	s0 =	sor.u32 s14, s2  }
0xc3: {  	v4 =	vld [tilespmem:s0+$0x0]  }
0xc4: {  	s0 =	sor.u32 s14, s3  }
0xc5: {  	v5 =	vld [tilespmem:s0+$0x0];
	_ =	sdelay $0x2  }
0xc6: {  	v4 =	vmul.f32 v4, v3;
	_ =	sdelay $0x1  }
0xc7: {  	v4 =	vadd.f32 v4, v5  }
0xc8: {  	s14 =	sor.u32 $0x30, s31  }
0xc9: {  	[tilespmem:s0+$0xC000] =	vst.add.f32.msk $0xffff, v4;
	s0 =	sor.u32 s14, s2  }
0xca: {  	s31 =	sor.u32 s14, s3;
	v4 =	vld [tilespmem:s0+$0x0]  }
0xcb: {  	v5 =	vld [tilespmem:s31+$0x0];
	_ =	sdelay $0x2  }
.Ltmp2:
0xcc: {  	(pc) =	sbr.rel @p0 .LBB2_8-.Ltmp2, $3  }
0xcd: {  	v4 =	vmul.f32 v4, v3;
	_ =	sdelay $0x1  }
0xce: {  	s29 =	sadd.s32 $0x200, s29;
	v4 =	vadd.f32 v4, v5  }
0xcf: {  	s28 =	sadd.s32 $0x40, s28;
	s3 =	sand.u32 $0x1C00, s29  }
0xd0: {  	s0 =	sadd.s32 s25, s3;
	[tilespmem:s31+$0xC000] =	vst.add.f32.msk $0xffff, v4;
	s2 =	sadd.s32 $0x40, s24  }
0xd1: {  	s3 =	sand.u32 $0x40, s2;
	s0 =	sor.u32 s26, s0;
	v4 =	vld [tilespmem:s28+$0x0]  }
0xd2: {  	s14 =	sor.u32 s3, s0  }
0xd3: {  	v5 =	vld [tilespmem:s14+$0x0];
	_ =	sdelay $0x2  }
0xd4: {  	v4 =	vmul.f32 v4, v3;
	_ =	sdelay $0x1  }
0xd5: {  	s2 =	sand.u32 $0x380, s2;
	v4 =	vadd.f32 v4, v5  }
0xd6: {  	s25 =	sor.u32 $0x10, s3;
	s2 =	sadd.s32 $0x18600, s2  }
0xd7: {  	s26 =	sor.u32 s25, s2;
	[tilespmem:s14+$0xC000] =	vst.add.f32.msk $0xffff, v4  }
0xd8: {  	v4 =	vld [tilespmem:s26+$0x0]  }
0xd9: {  	s28 =	sor.u32 s25, s0  }
0xda: {  	v61 =	vld [tilespmem:s28+$0x0];
	_ =	sdelay $0x2  }
0xdb: {  	v4 =	vmul.f32 v4, v3;
	_ =	sdelay $0x1  }
0xdc: {  	v4 =	vadd.f32 v4, v61  }
0xdd: {  	s29 =	sor.u32 $0x20, s3  }
0xde: {  	s30 =	sor.u32 s29, s2;
	[tilespmem:s28+$0xC000] =	vst.add.f32.msk $0xffff, v4  }
0xdf: {  	v4 =	vld [tilespmem:s30+$0x0]  }
0xe0: {  	s31 =	sor.u32 s29, s0  }
0xe1: {  	v62 =	vld [tilespmem:s31+$0x0];
	_ =	sdelay $0x2  }
0xe2: {  	v4 =	vmul.f32 v4, v3;
	_ =	sdelay $0x1  }
0xe3: {  	v4 =	vadd.f32 v4, v62  }
0xe4: {  	s3 =	sor.u32 $0x30, s3  }
0xe5: {  	s2 =	sor.u32 s3, s2;
	[tilespmem:s31+$0xC000] =	vst.add.f32.msk $0xffff, v4  }
0xe6: {  	v4 =	vld [tilespmem:s2+$0x0]  }
0xe7: {  	s0 =	sor.u32 s3, s0  }
0xe8: {  	v63 =	vld [tilespmem:s0+$0x0]  }
0xe9: {  	s5 =	sadd.s32 $0x1, s5  }
0xea: {  	p0 =	sne.s32 s5, $0x40  }
.Ltmp3:
0xeb: {  	v3 =	vmul.f32 v4, v3;
	(pc) =	sbr.rel @p0 .LBB2_7-.Ltmp3, $3  }
0xec: {  	_ = 	snop  }
0xed: {  	v3 =	vadd.f32 v3, v63;
	_ =	sdelay $0x1  }
0xee: {  	[tilespmem:s0+$0xC000] =	vst.add.f32.msk $0xffff, v3  }
0xef: {  	s0 =	smul.u32 $0x300, s23;
	s22 =	sadd.s32 $0x1, s22  }
0xf0: {  	s2 =	rddreg [dreg:$0x4];
	p0 =	sne.s32 s22, $0x4  }
.Ltmp4:
0xf1: {  	s0 =	sadd.s32 s2, s0;
	(pc) =	sbr.rel @p0 .LBB2_6-.Ltmp4, $4  }
0xf2: {  	[hbm4b:s0+s9] =	stream.linear.scatter [tilespmem:s17], [sflag:$0x2], $0xC000, $0x38;
	[tilespmem:$0x18A80] =	vst v63  }
0xf3: {  	_ =	swait.ge [sflag:s13], $0xC000  }
0xf4: {  	[sflag:s13] =	ssyncset.done $0x0  }
0xf5: {  	[sflag:s13] =	ssyncadd.s32 $0xFFFF4000  }
0xf6: {  	s2 =	rddreg [dreg:$0x8]  }
0xf7: {  	s0 =	rddreg [dreg:$0x7];
	s2 =	sadd.s32 $0x1, s2  }
0xf8: {  	p0 =	sne.s32 s2, s0  }
.Ltmp5:
0xf9: {  	_ = 	snop;
	(pc) =	sbr.rel @p0 .LBB2_1-.Ltmp5, $1  }
0xfa: {  	_ =	sdelay $0x3  }
0xfb: {  	_ =	sfence.sel $0x180000  }
0xfc: {  	[bflag:$0x0] =	sbarrier.arrive $0xFFFF  }
0xfd: {  	_ =	strace $0x90000047  }
0xfe: {  	s0 =	stileid.u32;
	[bflag:$0x2] =	sbarrier.arrive $0xFFFF  }
0xff: {  	p0 =	sne.s32 s0, $0x0;
	s0 =	rddreg [dreg:$0x5]  }
0x100: {  	s0 =	sadd.s32 @!p0 $0x100000, s0  }
0x101: {  	[sflag:s0] =	ssyncadd.tile.s32 @!p0 $0x1;
	_ =	shalt  }
.Lfunc_end2:
_tile_overlayer_lowered:
.L_overlay_start_2:
0x102: {  	(tag) =	ssettag $0x2  }
0x103: {  	s0 =	rddreg [dreg:$0x0];
	s2 =	stileid.u32  }
0x104: {  	s1 =	rddreg [dreg:$0x1];
	p0 =	sne.s32 s2, $0x0  }
0x105: {  	s3 =	rddreg [dreg:$0x2];
	[bflag:$0x3] =	sbarrier.arrive $0xFFFF;
	s2 =	simm.s32 @!p0 $0x1C02  }
0x106: {  	[timem:s3], [sflag:s2] =	dma.local @!p0 [hbm:s0], s1  }
0x107: {  	s0 =	simm.s32 @!p0 $0x2  }
0x108: {  	_ =	swait.ge @!p0 [sflag:s0], s1  }
0x109: {  	s1 =	ssub.s32 @!p0 $0x0, s1;
	[sflag:s0] =	ssyncset.done @!p0 $0x0  }
0x10a: {  	[sflag:s0] =	ssyncadd.s32 @!p0 s1  }
0x10b: {  	[bflag:$0x3] =	sbarrier.arrive $0xFFFF  }
0x10c: {  	_ =	shalt  }

</sc_bundles>
